<compile_context>
chip_gen: v7x
topology: tpu7x:2x2x1
jax: 0.10.2.dev20260603
libtpu: 0.0.44.dev20260713+nightly
codegen_flags: <defaults>
</compile_context>

<pallas_src>
import dataclasses
import functools

import jax
import jax.numpy as jnp
from jax import lax
from jax.experimental import pallas as pl
from jax.experimental.pallas import tpu as pltpu
from jax.experimental.pallas import tpu_sc as plsc

B = 4096
S = 50
D = 32
SP = 56

NC, NS, L = 2, 16, 16
NW = NC * NS
BPW = B // NW
CH = 2
GW = CH * SP
NCHUNK = BPW // CH
IDXW = BPW * SP


def _bow_sc(qpad_hbm, qlen_hbm, table_hbm, out_hbm,
            idx_v, rows0, rows1, len_v, den_v, out_v,
            sem0, sem1):
    wid = lax.axis_index("s") * NC + lax.axis_index("c")
    base = wid * BPW

    pltpu.sync_copy(qpad_hbm.at[pl.ds(base * SP, IDXW)], idx_v)
    pltpu.sync_copy(qlen_hbm.at[pl.ds(base, BPW)], len_v)

    @pl.loop(0, BPW // L)
    def _(i):
        lv = len_v[pl.ds(i * L, L)]
        den_v[pl.ds(i * L, L)] = lv.astype(jnp.float32) + 1e-12

    def gstart(c, buf, sem):
        pltpu.make_async_copy(
            table_hbm.at[idx_v.at[pl.ds(c * GW, GW)]], buf, sem).start()

    def gwait(c, buf, sem):
        pltpu.make_async_copy(
            table_hbm.at[idx_v.at[pl.ds(c * GW, GW)]], buf, sem).wait()

    def process(c, buf):
        for r2 in range(CH):
            row = c * CH + r2

            def body(j, accs, _r2=r2):
                a0, a1 = accs
                r = _r2 * SP + j
                return (a0 + buf[r, pl.ds(0, L)], a1 + buf[r, pl.ds(L, L)])

            z = jnp.zeros((L,), jnp.float32)
            a0, a1 = lax.fori_loop(0, S, body, (z, z), unroll=5)
            d = plsc.load_gather(den_v, [jnp.full((L,), row, jnp.int32)])
            out_v[row, pl.ds(0, L)] = a0 / d
            out_v[row, pl.ds(L, L)] = a1 / d

    gstart(0, rows0, sem0)

    @pl.loop(0, NCHUNK, step=2)
    def _(g):
        gstart(g + 1, rows1, sem1)
        gwait(g, rows0, sem0)
        process(g, rows0)

        @pl.when(g + 2 < NCHUNK)
        def _():
            gstart(g + 2, rows0, sem0)

        gwait(g + 1, rows1, sem1)
        process(g + 1, rows1)

    pltpu.sync_copy(out_v, out_hbm.at[pl.ds(base, BPW)])


@jax.jit
def _bow(qpad_flat, q_len, table):
    mesh = plsc.VectorSubcoreMesh(core_axis_name="c", subcore_axis_name="s",
                                  num_cores=NC, num_subcores=NS)
    cp = pltpu.CompilerParams()
    for field, val in (("needs_layout_passes", False),
                       ("use_tc_tiling_on_sc", False)):
        if field in pltpu.CompilerParams.__dataclass_fields__:
            cp = dataclasses.replace(cp, **{field: val})
    run = pl.kernel(
        _bow_sc,
        out_type=jax.ShapeDtypeStruct((B, D), jnp.float32),
        mesh=mesh,
        scratch_types=[
            pltpu.VMEM((IDXW,), jnp.int32),
            pltpu.VMEM((GW, D), jnp.float32),
            pltpu.VMEM((GW, D), jnp.float32),
            pltpu.VMEM((BPW,), jnp.int32),
            pltpu.VMEM((BPW,), jnp.float32),
            pltpu.VMEM((BPW, D), jnp.float32),
            pltpu.SemaphoreType.DMA,
            pltpu.SemaphoreType.DMA,
        ],
        compiler_params=cp,
    )
    return run(qpad_flat, q_len, table)


def kernel(q, q_len, table):
    qpad = jnp.pad(q.astype(jnp.int32), ((0, 0), (0, SP - S))).reshape(-1)
    return _bow(qpad, q_len.astype(jnp.int32), table)

# --- scband reference (transcript-rebuilt; emitter-appended) ---
"""Pipeline reference for scband-bag-of-words-processor-88648124989868 (READ-ONLY COPY).

The authoritative reference and input builder live on the scoring server;
editing this copy changes nothing except your own understanding.
"""

import jax, jax.numpy as jnp
import numpy as np

VOCAB = 1000000
EMBED = 32
BATCH = 4096
SEQ = 50

def setup_inputs(seed: int = 0) -> dict:
    key = jax.random.key(seed)
    k1, k2, k3 = jax.random.split(key, 3)
    q = jax.random.randint(k1, (BATCH, SEQ), 0, VOCAB, dtype=jnp.int64 if jax.config.read('jax_enable_x64') else jnp.int32)
    q_len = jax.random.randint(k2, (BATCH,), 0, SEQ, dtype=jnp.int32)
    table = jax.random.normal(k3, (VOCAB, EMBED), dtype=jnp.float32) * 0.2
    table = table.at[0].set(0.0)  # padding_idx=0
    return {"q": q, "q_len": q_len, "table": table}

def reference(q, q_len, table):
    embedded = jnp.take(table, q, axis=0)            # [B, L, D] gather
    summed = jnp.sum(embedded, axis=1)               # [B, D]
    denom = q_len.astype(jnp.float32).reshape(-1, 1) + 1e-12
    return summed / denom

if __name__ == "__main__":
    import jax
    _d = setup_inputs()
    print(jax.jit(kernel)(*tuple(_d.values())))

</pallas_src>

<mosaic_0001>
#map = affine_map<(d0, d1) -> (0)>
#map1 = affine_map<(d0, d1) -> (0, 0)>
module attributes {stable_mosaic.version = 14 : i64} {
  func.func @_bow_sc(%arg0: i32, %arg1: i32, %arg2: memref<229376xi32, #tpu.memory_space<hbm>>, %arg3: memref<4096xi32, #tpu.memory_space<hbm>>, %arg4: memref<1000000x32xf32, #tpu.memory_space<hbm>>, %arg5: memref<4096x32xf32, #tpu.memory_space<hbm>>, %arg6: memref<7168xi32, #tpu.memory_space<vmem>>, %arg7: memref<112x32xf32, #tpu.memory_space<vmem>>, %arg8: memref<112x32xf32, #tpu.memory_space<vmem>>, %arg9: memref<128xi32, #tpu.memory_space<vmem>>, %arg10: memref<128xf32, #tpu.memory_space<vmem>>, %arg11: memref<128x32xf32, #tpu.memory_space<vmem>>, %arg12: memref<!tpu.dma_semaphore, #tpu.memory_space<semaphore_mem>>, %arg13: memref<!tpu.dma_semaphore, #tpu.memory_space<semaphore_mem>>) attributes {dimension_semantics = [#tpu.dimension_semantics<core_parallel>, #tpu.dimension_semantics<subcore_parallel>], iteration_bounds = array<i64: 2, 16>, scalar_prefetch = 0 : i64, scratch_operands = 8 : i64, tpu.core_type = #tpu.core_type<sc_vector_subcore>, window_params = [{transform_indices = #map}, {transform_indices = #map}, {transform_indices = #map1}, {transform_indices = #map1}]} {
    %mul3A = arith.constant 2 : i32
    %mul3A_0 = arith.muli %arg1, %mul3A : i32
    %add3A = arith.addi %mul3A_0, %arg0 : i32
    %mul3A_1 = arith.constant 128 : i32
    %mul3A_2 = arith.muli %add3A, %mul3A_1 : i32
    %mul3A_3 = arith.constant 56 : i32
    %mul3A_4 = arith.muli %mul3A_2, %mul3A_3 : i32
    "tpu.region"() ({
      %run_scoped3A = tpu.sem_alloc : memref<!tpu.dma_semaphore, #tpu.memory_space<semaphore_mem>>
      %dma_start3A_18 = tpu.memref_slice %arg2[%mul3A_4] : memref<229376xi32, #tpu.memory_space<hbm>> -> memref<7168xi32, #tpu.memory_space<hbm>>
      %dma_start3A_19 = tpu.memref_slice %arg2[%mul3A_4] : memref<229376xi32, #tpu.memory_space<hbm>> -> memref<7168xi32, #tpu.memory_space<hbm>>
      tpu.enqueue_dma source(%dma_start3A_19 : memref<7168xi32, #tpu.memory_space<hbm>>) target(%arg6 : memref<7168xi32, #tpu.memory_space<vmem>>) target_semaphore(%run_scoped3A : memref<!tpu.dma_semaphore, #tpu.memory_space<semaphore_mem>>)
      %dma_wait3A = tpu.memref_slice %arg2[%mul3A_4] : memref<229376xi32, #tpu.memory_space<hbm>> -> memref<7168xi32, #tpu.memory_space<hbm>>
      %dma_wait3A_20 = tpu.memref_slice %arg2[%mul3A_4] : memref<229376xi32, #tpu.memory_space<hbm>> -> memref<7168xi32, #tpu.memory_space<hbm>>
      tpu.wait_dma2 semaphore(%run_scoped3A : memref<!tpu.dma_semaphore, #tpu.memory_space<semaphore_mem>>) src(%dma_wait3A_20 : memref<7168xi32, #tpu.memory_space<hbm>>) dst(%arg6 : memref<7168xi32, #tpu.memory_space<vmem>>)
      tpu.yield
    }) : () -> ()
    "tpu.region"() ({
      %run_scoped3A = tpu.sem_alloc : memref<!tpu.dma_semaphore, #tpu.memory_space<semaphore_mem>>
      %dma_start3A_18 = tpu.memref_slice %arg3[%mul3A_2] : memref<4096xi32, #tpu.memory_space<hbm>> -> memref<128xi32, #tpu.memory_space<hbm>>
      %dma_start3A_19 = tpu.memref_slice %arg3[%mul3A_2] : memref<4096xi32, #tpu.memory_space<hbm>> -> memref<128xi32, #tpu.memory_space<hbm>>
      tpu.enqueue_dma source(%dma_start3A_19 : memref<128xi32, #tpu.memory_space<hbm>>) target(%arg9 : memref<128xi32, #tpu.memory_space<vmem>>) target_semaphore(%run_scoped3A : memref<!tpu.dma_semaphore, #tpu.memory_space<semaphore_mem>>)
      %dma_wait3A = tpu.memref_slice %arg3[%mul3A_2] : memref<4096xi32, #tpu.memory_space<hbm>> -> memref<128xi32, #tpu.memory_space<hbm>>
      %dma_wait3A_20 = tpu.memref_slice %arg3[%mul3A_2] : memref<4096xi32, #tpu.memory_space<hbm>> -> memref<128xi32, #tpu.memory_space<hbm>>
      tpu.wait_dma2 semaphore(%run_scoped3A : memref<!tpu.dma_semaphore, #tpu.memory_space<semaphore_mem>>) src(%dma_wait3A_20 : memref<128xi32, #tpu.memory_space<hbm>>) dst(%arg9 : memref<128xi32, #tpu.memory_space<vmem>>)
      tpu.yield
    }) : () -> ()
    %scan3A = arith.constant 0 : i32
    %scan3A_5 = arith.constant 8 : i32
    %scan3A_6 = arith.addi %scan3A, %scan3A_5 : i32
    %scan3A_7 = arith.constant 1 : i32
    scf.for %scan3A_18 = %scan3A to %scan3A_6 step %scan3A_7  : i32 {
      %mul3A_19 = arith.constant 1 : i32
      %mul3A_20 = arith.muli %scan3A_18, %mul3A_19 : i32
      %add3A_21 = arith.constant 0 : i32
      %add3A_22 = arith.addi %add3A_21, %mul3A_20 : i32
      %mul3A_23 = arith.constant 16 : i32
      %mul3A_24 = arith.muli %add3A_22, %mul3A_23 : i32
      %get3A = arith.index_cast %mul3A_24 : i32 to index
      %get3A_25 = tpu.vector_load %arg9[%get3A] {strides = array<i32>} : memref<128xi32, #tpu.memory_space<vmem>>, vector<16xi32>,
      %convert_element_type3A = arith.sitofp %get3A_25 : vector<16xi32> to vector<16xf32>
      %add3A_26 = arith.constant 9.99999996E-13 : f32
      %add3A_27 = vector.broadcast %add3A_26 : f32 to vector<16xf32>
      %add3A_28 = arith.addf %convert_element_type3A, %add3A_27 : vector<16xf32>
      %mul3A_29 = arith.constant 16 : i32
      %mul3A_30 = arith.muli %add3A_22, %mul3A_29 : i32
      %swap3A = arith.index_cast %mul3A_30 : i32 to index
      %swap3A_31 = tpu.vector_load %arg10[%swap3A] {strides = array<i32>} : memref<128xf32, #tpu.memory_space<vmem>>, vector<16xf32>,
      tpu.vector_store %arg10[%swap3A], %add3A_28 {strides = array<i32>} : memref<128xf32, #tpu.memory_space<vmem>>, vector<16xf32>,
    }
    %scan3A_8 = arith.constant 8 : i32
    %dma_start3A = arith.constant 0 : i32
    %dma_start3A_9 = tpu.memref_slice %arg6[%dma_start3A] : memref<7168xi32, #tpu.memory_space<vmem>> -> memref<112xi32, #tpu.memory_space<vmem>>
    %dma_start3A_10 = arith.constant 0 : i32
    %dma_start3A_11 = arith.constant 0 : i32
    %dma_start3A_12 = tpu.memref_slice %arg4[%dma_start3A_10, %dma_start3A_11] : memref<1000000x32xf32, #tpu.memory_space<hbm>> -> memref<1000000x32xf32, #tpu.memory_space<hbm>>
    tpu.enqueue_indirect_dma source(%dma_start3A_12 : memref<1000000x32xf32, #tpu.memory_space<hbm>>) target(%arg7 : memref<112x32xf32, #tpu.memory_space<vmem>>) offsets(%dma_start3A_9 : memref<112xi32, #tpu.memory_space<vmem>>) semaphore(%arg12 : memref<!tpu.dma_semaphore, #tpu.memory_space<semaphore_mem>>)
    %scan3A_13 = arith.constant 0 : i32
    %scan3A_14 = arith.constant 32 : i32
    %scan3A_15 = arith.addi %scan3A_13, %scan3A_14 : i32
    %scan3A_16 = arith.constant 1 : i32
    scf.for %scan3A_18 = %scan3A_13 to %scan3A_15 step %scan3A_16  : i32 {
      %mul3A_19 = arith.constant 2 : i32
      %mul3A_20 = arith.muli %scan3A_18, %mul3A_19 : i32
      %add3A_21 = arith.constant 0 : i32
      %add3A_22 = arith.addi %add3A_21, %mul3A_20 : i32
      %add3A_23 = arith.constant 1 : i32
      %add3A_24 = arith.addi %add3A_22, %add3A_23 : i32
      %mul3A_25 = arith.constant 112 : i32
      %mul3A_26 = arith.muli %add3A_24, %mul3A_25 : i32
      %dma_start3A_27 = tpu.memref_slice %arg6[%mul3A_26] : memref<7168xi32, #tpu.memory_space<vmem>> -> memref<112xi32, #tpu.memory_space<vmem>>
      %dma_start3A_28 = arith.constant 0 : i32
      %dma_start3A_29 = arith.constant 0 : i32
      %dma_start3A_30 = tpu.memref_slice %arg4[%dma_start3A_28, %dma_start3A_29] : memref<1000000x32xf32, #tpu.memory_space<hbm>> -> memref<1000000x32xf32, #tpu.memory_space<hbm>>
      tpu.enqueue_indirect_dma source(%dma_start3A_30 : memref<1000000x32xf32, #tpu.memory_space<hbm>>) target(%arg8 : memref<112x32xf32, #tpu.memory_space<vmem>>) offsets(%dma_start3A_27 : memref<112xi32, #tpu.memory_space<vmem>>) semaphore(%arg13 : memref<!tpu.dma_semaphore, #tpu.memory_space<semaphore_mem>>)
      %mul3A_31 = arith.constant 112 : i32
      %mul3A_32 = arith.muli %add3A_22, %mul3A_31 : i32
      %dma_wait3A = tpu.memref_slice %arg6[%mul3A_32] : memref<7168xi32, #tpu.memory_space<vmem>> -> memref<112xi32, #tpu.memory_space<vmem>>
      %dma_wait3A_33 = arith.constant 0 : i32
      %dma_wait3A_34 = arith.constant 0 : i32
      %dma_wait3A_35 = tpu.memref_slice %arg4[%dma_wait3A_33, %dma_wait3A_34] : memref<1000000x32xf32, #tpu.memory_space<hbm>> -> memref<1000000x32xf32, #tpu.memory_space<hbm>>
      tpu.wait_indirect_dma semaphore(%arg12 : memref<!tpu.dma_semaphore, #tpu.memory_space<semaphore_mem>>) src(%dma_wait3A_35 : memref<1000000x32xf32, #tpu.memory_space<hbm>>) dst(%arg7 : memref<112x32xf32, #tpu.memory_space<vmem>>)
      %mul3A_36 = arith.constant 2 : i32
      %mul3A_37 = arith.muli %add3A_22, %mul3A_36 : i32
      %add3A_38 = arith.constant 0 : i32
      %add3A_39 = arith.addi %mul3A_37, %add3A_38 : i32
      %broadcast_in_dim3A = arith.constant 0.000000e+00 : f32
      %broadcast_in_dim3A_40 = vector.broadcast %broadcast_in_dim3A : f32 to vector<16xf32>
      %scan3A_41 = arith.constant 0 : i32
      %scan3A_42 = arith.constant 50 : i32
      %scan3A_43 = arith.addi %scan3A_41, %scan3A_42 : i32
      %scan3A_44 = arith.constant 5 : i32
      %scan3A_45:2 = scf.for %scan3A_134 = %scan3A_41 to %scan3A_43 step %scan3A_44 iter_args(%scan3A_135 = %broadcast_in_dim3A_40, %scan3A_136 = %broadcast_in_dim3A_40) -> (vector<16xf32>, vector<16xf32>)  : i32 {
        %add3A_137 = arith.constant 0 : i32
        %add3A_138 = arith.addi %add3A_137, %scan3A_134 : i32
        %get3A = arith.index_cast %add3A_138 : i32 to index
        %get3A_139 = arith.constant 0 : index
        %get3A_140 = tpu.vector_load %arg7[%get3A, %get3A_139] {strides = array<i32>} : memref<112x32xf32, #tpu.memory_space<vmem>>, vector<16xf32>,
        %add3A_141 = arith.addf %scan3A_135, %get3A_140 : vector<16xf32>
        %get3A_142 = arith.index_cast %add3A_138 : i32 to index
        %get3A_143 = arith.constant 16 : index
        %get3A_144 = tpu.vector_load %arg7[%get3A_142, %get3A_143] {strides = array<i32>} : memref<112x32xf32, #tpu.memory_space<vmem>>, vector<16xf32>,
        %add3A_145 = arith.addf %scan3A_136, %get3A_144 : vector<16xf32>
        %scan3A_146 = arith.constant 1 : i32
        %scan3A_147 = arith.addi %scan3A_134, %scan3A_146 : i32
        %add3A_148 = arith.constant 0 : i32
        %add3A_149 = arith.addi %add3A_148, %scan3A_147 : i32
        %get3A_150 = arith.index_cast %add3A_149 : i32 to index
        %get3A_151 = arith.constant 0 : index
        %get3A_152 = tpu.vector_load %arg7[%get3A_150, %get3A_151] {strides = array<i32>} : memref<112x32xf32, #tpu.memory_space<vmem>>, vector<16xf32>,
        %add3A_153 = arith.addf %add3A_141, %get3A_152 : vector<16xf32>
        %get3A_154 = arith.index_cast %add3A_149 : i32 to index
        %get3A_155 = arith.constant 16 : index
        %get3A_156 = tpu.vector_load %arg7[%get3A_154, %get3A_155] {strides = array<i32>} : memref<112x32xf32, #tpu.memory_space<vmem>>, vector<16xf32>,
        %add3A_157 = arith.addf %add3A_145, %get3A_156 : vector<16xf32>
        %scan3A_158 = arith.constant 2 : i32
        %scan3A_159 = arith.addi %scan3A_134, %scan3A_158 : i32
        %add3A_160 = arith.constant 0 : i32
        %add3A_161 = arith.addi %add3A_160, %scan3A_159 : i32
        %get3A_162 = arith.index_cast %add3A_161 : i32 to index
        %get3A_163 = arith.constant 0 : index
        %get3A_164 = tpu.vector_load %arg7[%get3A_162, %get3A_163] {strides = array<i32>} : memref<112x32xf32, #tpu.memory_space<vmem>>, vector<16xf32>,
        %add3A_165 = arith.addf %add3A_153, %get3A_164 : vector<16xf32>
        %get3A_166 = arith.index_cast %add3A_161 : i32 to index
        %get3A_167 = arith.constant 16 : index
        %get3A_168 = tpu.vector_load %arg7[%get3A_166, %get3A_167] {strides = array<i32>} : memref<112x32xf32, #tpu.memory_space<vmem>>, vector<16xf32>,
        %add3A_169 = arith.addf %add3A_157, %get3A_168 : vector<16xf32>
        %scan3A_170 = arith.constant 3 : i32
        %scan3A_171 = arith.addi %scan3A_134, %scan3A_170 : i32
        %add3A_172 = arith.constant 0 : i32
        %add3A_173 = arith.addi %add3A_172, %scan3A_171 : i32
        %get3A_174 = arith.index_cast %add3A_173 : i32 to index
        %get3A_175 = arith.constant 0 : index
        %get3A_176 = tpu.vector_load %arg7[%get3A_174, %get3A_175] {strides = array<i32>} : memref<112x32xf32, #tpu.memory_space<vmem>>, vector<16xf32>,
        %add3A_177 = arith.addf %add3A_165, %get3A_176 : vector<16xf32>
        %get3A_178 = arith.index_cast %add3A_173 : i32 to index
        %get3A_179 = arith.constant 16 : index
        %get3A_180 = tpu.vector_load %arg7[%get3A_178, %get3A_179] {strides = array<i32>} : memref<112x32xf32, #tpu.memory_space<vmem>>, vector<16xf32>,
        %add3A_181 = arith.addf %add3A_169, %get3A_180 : vector<16xf32>
        %scan3A_182 = arith.constant 4 : i32
        %scan3A_183 = arith.addi %scan3A_134, %scan3A_182 : i32
        %add3A_184 = arith.constant 0 : i32
        %add3A_185 = arith.addi %add3A_184, %scan3A_183 : i32
        %get3A_186 = arith.index_cast %add3A_185 : i32 to index
        %get3A_187 = arith.constant 0 : index
        %get3A_188 = tpu.vector_load %arg7[%get3A_186, %get3A_187] {strides = array<i32>} : memref<112x32xf32, #tpu.memory_space<vmem>>, vector<16xf32>,
        %add3A_189 = arith.addf %add3A_177, %get3A_188 : vector<16xf32>
        %get3A_190 = arith.index_cast %add3A_185 : i32 to index
        %get3A_191 = arith.constant 16 : index
        %get3A_192 = tpu.vector_load %arg7[%get3A_190, %get3A_191] {strides = array<i32>} : memref<112x32xf32, #tpu.memory_space<vmem>>, vector<16xf32>,
        %add3A_193 = arith.addf %add3A_181, %get3A_192 : vector<16xf32>
        scf.yield %add3A_189, %add3A_193 : vector<16xf32>, vector<16xf32>
      }
      %scan3A_46 = arith.constant 50 : i32
      %broadcast_in_dim3A_47 = vector.broadcast %add3A_39 : i32 to vector<16xi32>
      %gather3A = tpu.vector_load_idx %arg10[%broadcast_in_dim3A_47] : memref<128xf32, #tpu.memory_space<vmem>>[vector<16xi32>], vector<16xf32>,
      %div3A = arith.divf %scan3A_45#0, %gather3A : vector<16xf32>
      %swap3A = arith.index_cast %add3A_39 : i32 to index
      %swap3A_48 = arith.constant 0 : index
      %swap3A_49 = tpu.vector_load %arg11[%swap3A, %swap3A_48] {strides = array<i32>} : memref<128x32xf32, #tpu.memory_space<vmem>>, vector<16xf32>,
      tpu.vector_store %arg11[%swap3A, %swap3A_48], %div3A {strides = array<i32>} : memref<128x32xf32, #tpu.memory_space<vmem>>, vector<16xf32>,
      %div3A_50 = arith.divf %scan3A_45#1, %gather3A : vector<16xf32>
      %swap3A_51 = arith.index_cast %add3A_39 : i32 to index
      %swap3A_52 = arith.constant 16 : index
      %swap3A_53 = tpu.vector_load %arg11[%swap3A_51, %swap3A_52] {strides = array<i32>} : memref<128x32xf32, #tpu.memory_space<vmem>>, vector<16xf32>,
      tpu.vector_store %arg11[%swap3A_51, %swap3A_52], %div3A_50 {strides = array<i32>} : memref<128x32xf32, #tpu.memory_space<vmem>>, vector<16xf32>,
      %mul3A_54 = arith.constant 2 : i32
      %mul3A_55 = arith.muli %add3A_22, %mul3A_54 : i32
      %add3A_56 = arith.constant 1 : i32
      %add3A_57 = arith.addi %mul3A_55, %add3A_56 : i32
      %broadcast_in_dim3A_58 = arith.constant 0.000000e+00 : f32
      %broadcast_in_dim3A_59 = vector.broadcast %broadcast_in_dim3A_58 : f32 to vector<16xf32>
      %scan3A_60 = arith.constant 0 : i32
      %scan3A_61 = arith.constant 50 : i32
      %scan3A_62 = arith.addi %scan3A_60, %scan3A_61 : i32
      %scan3A_63 = arith.constant 5 : i32
      %scan3A_64:2 = scf.for %scan3A_134 = %scan3A_60 to %scan3A_62 step %scan3A_63 iter_args(%scan3A_135 = %broadcast_in_dim3A_59, %scan3A_136 = %broadcast_in_dim3A_59) -> (vector<16xf32>, vector<16xf32>)  : i32 {
        %add3A_137 = arith.constant 56 : i32
        %add3A_138 = arith.addi %add3A_137, %scan3A_134 : i32
        %get3A = arith.index_cast %add3A_138 : i32 to index
        %get3A_139 = arith.constant 0 : index
        %get3A_140 = tpu.vector_load %arg7[%get3A, %get3A_139] {strides = array<i32>} : memref<112x32xf32, #tpu.memory_space<vmem>>, vector<16xf32>,
        %add3A_141 = arith.addf %scan3A_135, %get3A_140 : vector<16xf32>
        %get3A_142 = arith.index_cast %add3A_138 : i32 to index
        %get3A_143 = arith.constant 16 : index
        %get3A_144 = tpu.vector_load %arg7[%get3A_142, %get3A_143] {strides = array<i32>} : memref<112x32xf32, #tpu.memory_space<vmem>>, vector<16xf32>,
        %add3A_145 = arith.addf %scan3A_136, %get3A_144 : vector<16xf32>
        %scan3A_146 = arith.constant 1 : i32
        %scan3A_147 = arith.addi %scan3A_134, %scan3A_146 : i32
        %add3A_148 = arith.constant 56 : i32
        %add3A_149 = arith.addi %add3A_148, %scan3A_147 : i32
        %get3A_150 = arith.index_cast %add3A_149 : i32 to index
        %get3A_151 = arith.constant 0 : index
        %get3A_152 = tpu.vector_load %arg7[%get3A_150, %get3A_151] {strides = array<i32>} : memref<112x32xf32, #tpu.memory_space<vmem>>, vector<16xf32>,
        %add3A_153 = arith.addf %add3A_141, %get3A_152 : vector<16xf32>
        %get3A_154 = arith.index_cast %add3A_149 : i32 to index
        %get3A_155 = arith.constant 16 : index
        %get3A_156 = tpu.vector_load %arg7[%get3A_154, %get3A_155] {strides = array<i32>} : memref<112x32xf32, #tpu.memory_space<vmem>>, vector<16xf32>,
        %add3A_157 = arith.addf %add3A_145, %get3A_156 : vector<16xf32>
        %scan3A_158 = arith.constant 2 : i32
        %scan3A_159 = arith.addi %scan3A_134, %scan3A_158 : i32
        %add3A_160 = arith.constant 56 : i32
        %add3A_161 = arith.addi %add3A_160, %scan3A_159 : i32
        %get3A_162 = arith.index_cast %add3A_161 : i32 to index
        %get3A_163 = arith.constant 0 : index
        %get3A_164 = tpu.vector_load %arg7[%get3A_162, %get3A_163] {strides = array<i32>} : memref<112x32xf32, #tpu.memory_space<vmem>>, vector<16xf32>,
        %add3A_165 = arith.addf %add3A_153, %get3A_164 : vector<16xf32>
        %get3A_166 = arith.index_cast %add3A_161 : i32 to index
        %get3A_167 = arith.constant 16 : index
        %get3A_168 = tpu.vector_load %arg7[%get3A_166, %get3A_167] {strides = array<i32>} : memref<112x32xf32, #tpu.memory_space<vmem>>, vector<16xf32>,
        %add3A_169 = arith.addf %add3A_157, %get3A_168 : vector<16xf32>
        %scan3A_170 = arith.constant 3 : i32
        %scan3A_171 = arith.addi %scan3A_134, %scan3A_170 : i32
        %add3A_172 = arith.constant 56 : i32
        %add3A_173 = arith.addi %add3A_172, %scan3A_171 : i32
        %get3A_174 = arith.index_cast %add3A_173 : i32 to index
        %get3A_175 = arith.constant 0 : index
        %get3A_176 = tpu.vector_load %arg7[%get3A_174, %get3A_175] {strides = array<i32>} : memref<112x32xf32, #tpu.memory_space<vmem>>, vector<16xf32>,
        %add3A_177 = arith.addf %add3A_165, %get3A_176 : vector<16xf32>
        %get3A_178 = arith.index_cast %add3A_173 : i32 to index
        %get3A_179 = arith.constant 16 : index
        %get3A_180 = tpu.vector_load %arg7[%get3A_178, %get3A_179] {strides = array<i32>} : memref<112x32xf32, #tpu.memory_space<vmem>>, vector<16xf32>,
        %add3A_181 = arith.addf %add3A_169, %get3A_180 : vector<16xf32>
        %scan3A_182 = arith.constant 4 : i32
        %scan3A_183 = arith.addi %scan3A_134, %scan3A_182 : i32
        %add3A_184 = arith.constant 56 : i32
        %add3A_185 = arith.addi %add3A_184, %scan3A_183 : i32
        %get3A_186 = arith.index_cast %add3A_185 : i32 to index
        %get3A_187 = arith.constant 0 : index
        %get3A_188 = tpu.vector_load %arg7[%get3A_186, %get3A_187] {strides = array<i32>} : memref<112x32xf32, #tpu.memory_space<vmem>>, vector<16xf32>,
        %add3A_189 = arith.addf %add3A_177, %get3A_188 : vector<16xf32>
        %get3A_190 = arith.index_cast %add3A_185 : i32 to index
        %get3A_191 = arith.constant 16 : index
        %get3A_192 = tpu.vector_load %arg7[%get3A_190, %get3A_191] {strides = array<i32>} : memref<112x32xf32, #tpu.memory_space<vmem>>, vector<16xf32>,
        %add3A_193 = arith.addf %add3A_181, %get3A_192 : vector<16xf32>
        scf.yield %add3A_189, %add3A_193 : vector<16xf32>, vector<16xf32>
      }
      %scan3A_65 = arith.constant 50 : i32
      %broadcast_in_dim3A_66 = vector.broadcast %add3A_57 : i32 to vector<16xi32>
      %gather3A_67 = tpu.vector_load_idx %arg10[%broadcast_in_dim3A_66] : memref<128xf32, #tpu.memory_space<vmem>>[vector<16xi32>], vector<16xf32>,
      %div3A_68 = arith.divf %scan3A_64#0, %gather3A_67 : vector<16xf32>
      %swap3A_69 = arith.index_cast %add3A_57 : i32 to index
      %swap3A_70 = arith.constant 0 : index
      %swap3A_71 = tpu.vector_load %arg11[%swap3A_69, %swap3A_70] {strides = array<i32>} : memref<128x32xf32, #tpu.memory_space<vmem>>, vector<16xf32>,
      tpu.vector_store %arg11[%swap3A_69, %swap3A_70], %div3A_68 {strides = array<i32>} : memref<128x32xf32, #tpu.memory_space<vmem>>, vector<16xf32>,
      %div3A_72 = arith.divf %scan3A_64#1, %gather3A_67 : vector<16xf32>
      %swap3A_73 = arith.index_cast %add3A_57 : i32 to index
      %swap3A_74 = arith.constant 16 : index
      %swap3A_75 = tpu.vector_load %arg11[%swap3A_73, %swap3A_74] {strides = array<i32>} : memref<128x32xf32, #tpu.memory_space<vmem>>, vector<16xf32>,
      tpu.vector_store %arg11[%swap3A_73, %swap3A_74], %div3A_72 {strides = array<i32>} : memref<128x32xf32, #tpu.memory_space<vmem>>, vector<16xf32>,
      %add3A_76 = arith.constant 2 : i32
      %add3A_77 = arith.addi %add3A_22, %add3A_76 : i32
      %lt3A = arith.constant 64 : i32
      %lt3A_78 = arith.cmpi slt, %add3A_77, %lt3A : i32
      %convert_element_type3A = arith.extui %lt3A_78 : i1 to i32
      %cond3A = arith.constant 0 : i32
      %cond3A_79 = arith.cmpi ne, %convert_element_type3A, %cond3A : i32
      scf.if %cond3A_79 {
        %add3A_134 = arith.constant 2 : i32
        %add3A_135 = arith.addi %add3A_22, %add3A_134 : i32
        %mul3A_136 = arith.constant 112 : i32
        %mul3A_137 = arith.muli %add3A_135, %mul3A_136 : i32
        %dma_start3A_138 = tpu.memref_slice %arg6[%mul3A_137] : memref<7168xi32, #tpu.memory_space<vmem>> -> memref<112xi32, #tpu.memory_space<vmem>>
        %dma_start3A_139 = arith.constant 0 : i32
        %dma_start3A_140 = arith.constant 0 : i32
        %dma_start3A_141 = tpu.memref_slice %arg4[%dma_start3A_139, %dma_start3A_140] : memref<1000000x32xf32, #tpu.memory_space<hbm>> -> memref<1000000x32xf32, #tpu.memory_space<hbm>>
        tpu.enqueue_indirect_dma source(%dma_start3A_141 : memref<1000000x32xf32, #tpu.memory_space<hbm>>) target(%arg7 : memref<112x32xf32, #tpu.memory_space<vmem>>) offsets(%dma_start3A_138 : memref<112xi32, #tpu.memory_space<vmem>>) semaphore(%arg12 : memref<!tpu.dma_semaphore, #tpu.memory_space<semaphore_mem>>)
      } else {
      }
      %add3A_80 = arith.constant 1 : i32
      %add3A_81 = arith.addi %add3A_22, %add3A_80 : i32
      %mul3A_82 = arith.constant 112 : i32
      %mul3A_83 = arith.muli %add3A_81, %mul3A_82 : i32
      %dma_wait3A_84 = tpu.memref_slice %arg6[%mul3A_83] : memref<7168xi32, #tpu.memory_space<vmem>> -> memref<112xi32, #tpu.memory_space<vmem>>
      %dma_wait3A_85 = arith.constant 0 : i32
      %dma_wait3A_86 = arith.constant 0 : i32
      %dma_wait3A_87 = tpu.memref_slice %arg4[%dma_wait3A_85, %dma_wait3A_86] : memref<1000000x32xf32, #tpu.memory_space<hbm>> -> memref<1000000x32xf32, #tpu.memory_space<hbm>>
      tpu.wait_indirect_dma semaphore(%arg13 : memref<!tpu.dma_semaphore, #tpu.memory_space<semaphore_mem>>) src(%dma_wait3A_87 : memref<1000000x32xf32, #tpu.memory_space<hbm>>) dst(%arg8 : memref<112x32xf32, #tpu.memory_space<vmem>>)
      %add3A_88 = arith.constant 1 : i32
      %add3A_89 = arith.addi %add3A_22, %add3A_88 : i32
      %mul3A_90 = arith.constant 2 : i32
      %mul3A_91 = arith.muli %add3A_89, %mul3A_90 : i32
      %add3A_92 = arith.constant 0 : i32
      %add3A_93 = arith.addi %mul3A_91, %add3A_92 : i32
      %broadcast_in_dim3A_94 = arith.constant 0.000000e+00 : f32
      %broadcast_in_dim3A_95 = vector.broadcast %broadcast_in_dim3A_94 : f32 to vector<16xf32>
      %scan3A_96 = arith.constant 0 : i32
      %scan3A_97 = arith.constant 50 : i32
      %scan3A_98 = arith.addi %scan3A_96, %scan3A_97 : i32
      %scan3A_99 = arith.constant 5 : i32
      %scan3A_100:2 = scf.for %scan3A_134 = %scan3A_96 to %scan3A_98 step %scan3A_99 iter_args(%scan3A_135 = %broadcast_in_dim3A_95, %scan3A_136 = %broadcast_in_dim3A_95) -> (vector<16xf32>, vector<16xf32>)  : i32 {
        %add3A_137 = arith.constant 0 : i32
        %add3A_138 = arith.addi %add3A_137, %scan3A_134 : i32
        %get3A = arith.index_cast %add3A_138 : i32 to index
        %get3A_139 = arith.constant 0 : index
        %get3A_140 = tpu.vector_load %arg8[%get3A, %get3A_139] {strides = array<i32>} : memref<112x32xf32, #tpu.memory_space<vmem>>, vector<16xf32>,
        %add3A_141 = arith.addf %scan3A_135, %get3A_140 : vector<16xf32>
        %get3A_142 = arith.index_cast %add3A_138 : i32 to index
        %get3A_143 = arith.constant 16 : index
        %get3A_144 = tpu.vector_load %arg8[%get3A_142, %get3A_143] {strides = array<i32>} : memref<112x32xf32, #tpu.memory_space<vmem>>, vector<16xf32>,
        %add3A_145 = arith.addf %scan3A_136, %get3A_144 : vector<16xf32>
        %scan3A_146 = arith.constant 1 : i32
        %scan3A_147 = arith.addi %scan3A_134, %scan3A_146 : i32
        %add3A_148 = arith.constant 0 : i32
        %add3A_149 = arith.addi %add3A_148, %scan3A_147 : i32
        %get3A_150 = arith.index_cast %add3A_149 : i32 to index
        %get3A_151 = arith.constant 0 : index
        %get3A_152 = tpu.vector_load %arg8[%get3A_150, %get3A_151] {strides = array<i32>} : memref<112x32xf32, #tpu.memory_space<vmem>>, vector<16xf32>,
        %add3A_153 = arith.addf %add3A_141, %get3A_152 : vector<16xf32>
        %get3A_154 = arith.index_cast %add3A_149 : i32 to index
        %get3A_155 = arith.constant 16 : index
        %get3A_156 = tpu.vector_load %arg8[%get3A_154, %get3A_155] {strides = array<i32>} : memref<112x32xf32, #tpu.memory_space<vmem>>, vector<16xf32>,
        %add3A_157 = arith.addf %add3A_145, %get3A_156 : vector<16xf32>
        %scan3A_158 = arith.constant 2 : i32
        %scan3A_159 = arith.addi %scan3A_134, %scan3A_158 : i32
        %add3A_160 = arith.constant 0 : i32
        %add3A_161 = arith.addi %add3A_160, %scan3A_159 : i32
        %get3A_162 = arith.index_cast %add3A_161 : i32 to index
        %get3A_163 = arith.constant 0 : index
        %get3A_164 = tpu.vector_load %arg8[%get3A_162, %get3A_163] {strides = array<i32>} : memref<112x32xf32, #tpu.memory_space<vmem>>, vector<16xf32>,
        %add3A_165 = arith.addf %add3A_153, %get3A_164 : vector<16xf32>
        %get3A_166 = arith.index_cast %add3A_161 : i32 to index
        %get3A_167 = arith.constant 16 : index
        %get3A_168 = tpu.vector_load %arg8[%get3A_166, %get3A_167] {strides = array<i32>} : memref<112x32xf32, #tpu.memory_space<vmem>>, vector<16xf32>,
        %add3A_169 = arith.addf %add3A_157, %get3A_168 : vector<16xf32>
        %scan3A_170 = arith.constant 3 : i32
        %scan3A_171 = arith.addi %scan3A_134, %scan3A_170 : i32
        %add3A_172 = arith.constant 0 : i32
        %add3A_173 = arith.addi %add3A_172, %scan3A_171 : i32
        %get3A_174 = arith.index_cast %add3A_173 : i32 to index
        %get3A_175 = arith.constant 0 : index
        %get3A_176 = tpu.vector_load %arg8[%get3A_174, %get3A_175] {strides = array<i32>} : memref<112x32xf32, #tpu.memory_space<vmem>>, vector<16xf32>,
        %add3A_177 = arith.addf %add3A_165, %get3A_176 : vector<16xf32>
        %get3A_178 = arith.index_cast %add3A_173 : i32 to index
        %get3A_179 = arith.constant 16 : index
        %get3A_180 = tpu.vector_load %arg8[%get3A_178, %get3A_179] {strides = array<i32>} : memref<112x32xf32, #tpu.memory_space<vmem>>, vector<16xf32>,
        %add3A_181 = arith.addf %add3A_169, %get3A_180 : vector<16xf32>
        %scan3A_182 = arith.constant 4 : i32
        %scan3A_183 = arith.addi %scan3A_134, %scan3A_182 : i32
        %add3A_184 = arith.constant 0 : i32
        %add3A_185 = arith.addi %add3A_184, %scan3A_183 : i32
        %get3A_186 = arith.index_cast %add3A_185 : i32 to index
        %get3A_187 = arith.constant 0 : index
        %get3A_188 = tpu.vector_load %arg8[%get3A_186, %get3A_187] {strides = array<i32>} : memref<112x32xf32, #tpu.memory_space<vmem>>, vector<16xf32>,
        %add3A_189 = arith.addf %add3A_177, %get3A_188 : vector<16xf32>
        %get3A_190 = arith.index_cast %add3A_185 : i32 to index
        %get3A_191 = arith.constant 16 : index
        %get3A_192 = tpu.vector_load %arg8[%get3A_190, %get3A_191] {strides = array<i32>} : memref<112x32xf32, #tpu.memory_space<vmem>>, vector<16xf32>,
        %add3A_193 = arith.addf %add3A_181, %get3A_192 : vector<16xf32>
        scf.yield %add3A_189, %add3A_193 : vector<16xf32>, vector<16xf32>
      }
      %scan3A_101 = arith.constant 50 : i32
      %broadcast_in_dim3A_102 = vector.broadcast %add3A_93 : i32 to vector<16xi32>
      %gather3A_103 = tpu.vector_load_idx %arg10[%broadcast_in_dim3A_102] : memref<128xf32, #tpu.memory_space<vmem>>[vector<16xi32>], vector<16xf32>,
      %div3A_104 = arith.divf %scan3A_100#0, %gather3A_103 : vector<16xf32>
      %swap3A_105 = arith.index_cast %add3A_93 : i32 to index
      %swap3A_106 = arith.constant 0 : index
      %swap3A_107 = tpu.vector_load %arg11[%swap3A_105, %swap3A_106] {strides = array<i32>} : memref<128x32xf32, #tpu.memory_space<vmem>>, vector<16xf32>,
      tpu.vector_store %arg11[%swap3A_105, %swap3A_106], %div3A_104 {strides = array<i32>} : memref<128x32xf32, #tpu.memory_space<vmem>>, vector<16xf32>,
      %div3A_108 = arith.divf %scan3A_100#1, %gather3A_103 : vector<16xf32>
      %swap3A_109 = arith.index_cast %add3A_93 : i32 to index
      %swap3A_110 = arith.constant 16 : index
      %swap3A_111 = tpu.vector_load %arg11[%swap3A_109, %swap3A_110] {strides = array<i32>} : memref<128x32xf32, #tpu.memory_space<vmem>>, vector<16xf32>,
      tpu.vector_store %arg11[%swap3A_109, %swap3A_110], %div3A_108 {strides = array<i32>} : memref<128x32xf32, #tpu.memory_space<vmem>>, vector<16xf32>,
      %mul3A_112 = arith.constant 2 : i32
      %mul3A_113 = arith.muli %add3A_89, %mul3A_112 : i32
      %add3A_114 = arith.constant 1 : i32
      %add3A_115 = arith.addi %mul3A_113, %add3A_114 : i32
      %broadcast_in_dim3A_116 = arith.constant 0.000000e+00 : f32
      %broadcast_in_dim3A_117 = vector.broadcast %broadcast_in_dim3A_116 : f32 to vector<16xf32>
      %scan3A_118 = arith.constant 0 : i32
      %scan3A_119 = arith.constant 50 : i32
      %scan3A_120 = arith.addi %scan3A_118, %scan3A_119 : i32
      %scan3A_121 = arith.constant 5 : i32
      %scan3A_122:2 = scf.for %scan3A_134 = %scan3A_118 to %scan3A_120 step %scan3A_121 iter_args(%scan3A_135 = %broadcast_in_dim3A_117, %scan3A_136 = %broadcast_in_dim3A_117) -> (vector<16xf32>, vector<16xf32>)  : i32 {
        %add3A_137 = arith.constant 56 : i32
        %add3A_138 = arith.addi %add3A_137, %scan3A_134 : i32
        %get3A = arith.index_cast %add3A_138 : i32 to index
        %get3A_139 = arith.constant 0 : index
        %get3A_140 = tpu.vector_load %arg8[%get3A, %get3A_139] {strides = array<i32>} : memref<112x32xf32, #tpu.memory_space<vmem>>, vector<16xf32>,
        %add3A_141 = arith.addf %scan3A_135, %get3A_140 : vector<16xf32>
        %get3A_142 = arith.index_cast %add3A_138 : i32 to index
        %get3A_143 = arith.constant 16 : index
        %get3A_144 = tpu.vector_load %arg8[%get3A_142, %get3A_143] {strides = array<i32>} : memref<112x32xf32, #tpu.memory_space<vmem>>, vector<16xf32>,
        %add3A_145 = arith.addf %scan3A_136, %get3A_144 : vector<16xf32>
        %scan3A_146 = arith.constant 1 : i32
        %scan3A_147 = arith.addi %scan3A_134, %scan3A_146 : i32
        %add3A_148 = arith.constant 56 : i32
        %add3A_149 = arith.addi %add3A_148, %scan3A_147 : i32
        %get3A_150 = arith.index_cast %add3A_149 : i32 to index
        %get3A_151 = arith.constant 0 : index
        %get3A_152 = tpu.vector_load %arg8[%get3A_150, %get3A_151] {strides = array<i32>} : memref<112x32xf32, #tpu.memory_space<vmem>>, vector<16xf32>,
        %add3A_153 = arith.addf %add3A_141, %get3A_152 : vector<16xf32>
        %get3A_154 = arith.index_cast %add3A_149 : i32 to index
        %get3A_155 = arith.constant 16 : index
        %get3A_156 = tpu.vector_load %arg8[%get3A_154, %get3A_155] {strides = array<i32>} : memref<112x32xf32, #tpu.memory_space<vmem>>, vector<16xf32>,
        %add3A_157 = arith.addf %add3A_145, %get3A_156 : vector<16xf32>
        %scan3A_158 = arith.constant 2 : i32
        %scan3A_159 = arith.addi %scan3A_134, %scan3A_158 : i32
        %add3A_160 = arith.constant 56 : i32
        %add3A_161 = arith.addi %add3A_160, %scan3A_159 : i32
        %get3A_162 = arith.index_cast %add3A_161 : i32 to index
        %get3A_163 = arith.constant 0 : index
        %get3A_164 = tpu.vector_load %arg8[%get3A_162, %get3A_163] {strides = array<i32>} : memref<112x32xf32, #tpu.memory_space<vmem>>, vector<16xf32>,
        %add3A_165 = arith.addf %add3A_153, %get3A_164 : vector<16xf32>
        %get3A_166 = arith.index_cast %add3A_161 : i32 to index
        %get3A_167 = arith.constant 16 : index
        %get3A_168 = tpu.vector_load %arg8[%get3A_166, %get3A_167] {strides = array<i32>} : memref<112x32xf32, #tpu.memory_space<vmem>>, vector<16xf32>,
        %add3A_169 = arith.addf %add3A_157, %get3A_168 : vector<16xf32>
        %scan3A_170 = arith.constant 3 : i32
        %scan3A_171 = arith.addi %scan3A_134, %scan3A_170 : i32
        %add3A_172 = arith.constant 56 : i32
        %add3A_173 = arith.addi %add3A_172, %scan3A_171 : i32
        %get3A_174 = arith.index_cast %add3A_173 : i32 to index
        %get3A_175 = arith.constant 0 : index
        %get3A_176 = tpu.vector_load %arg8[%get3A_174, %get3A_175] {strides = array<i32>} : memref<112x32xf32, #tpu.memory_space<vmem>>, vector<16xf32>,
        %add3A_177 = arith.addf %add3A_165, %get3A_176 : vector<16xf32>
        %get3A_178 = arith.index_cast %add3A_173 : i32 to index
        %get3A_179 = arith.constant 16 : index
        %get3A_180 = tpu.vector_load %arg8[%get3A_178, %get3A_179] {strides = array<i32>} : memref<112x32xf32, #tpu.memory_space<vmem>>, vector<16xf32>,
        %add3A_181 = arith.addf %add3A_169, %get3A_180 : vector<16xf32>
        %scan3A_182 = arith.constant 4 : i32
        %scan3A_183 = arith.addi %scan3A_134, %scan3A_182 : i32
        %add3A_184 = arith.constant 56 : i32
        %add3A_185 = arith.addi %add3A_184, %scan3A_183 : i32
        %get3A_186 = arith.index_cast %add3A_185 : i32 to index
        %get3A_187 = arith.constant 0 : index
        %get3A_188 = tpu.vector_load %arg8[%get3A_186, %get3A_187] {strides = array<i32>} : memref<112x32xf32, #tpu.memory_space<vmem>>, vector<16xf32>,
        %add3A_189 = arith.addf %add3A_177, %get3A_188 : vector<16xf32>
        %get3A_190 = arith.index_cast %add3A_185 : i32 to index
        %get3A_191 = arith.constant 16 : index
        %get3A_192 = tpu.vector_load %arg8[%get3A_190, %get3A_191] {strides = array<i32>} : memref<112x32xf32, #tpu.memory_space<vmem>>, vector<16xf32>,
        %add3A_193 = arith.addf %add3A_181, %get3A_192 : vector<16xf32>
        scf.yield %add3A_189, %add3A_193 : vector<16xf32>, vector<16xf32>
      }
      %scan3A_123 = arith.constant 50 : i32
      %broadcast_in_dim3A_124 = vector.broadcast %add3A_115 : i32 to vector<16xi32>
      %gather3A_125 = tpu.vector_load_idx %arg10[%broadcast_in_dim3A_124] : memref<128xf32, #tpu.memory_space<vmem>>[vector<16xi32>], vector<16xf32>,
      %div3A_126 = arith.divf %scan3A_122#0, %gather3A_125 : vector<16xf32>
      %swap3A_127 = arith.index_cast %add3A_115 : i32 to index
      %swap3A_128 = arith.constant 0 : index
      %swap3A_129 = tpu.vector_load %arg11[%swap3A_127, %swap3A_128] {strides = array<i32>} : memref<128x32xf32, #tpu.memory_space<vmem>>, vector<16xf32>,
      tpu.vector_store %arg11[%swap3A_127, %swap3A_128], %div3A_126 {strides = array<i32>} : memref<128x32xf32, #tpu.memory_space<vmem>>, vector<16xf32>,
      %div3A_130 = arith.divf %scan3A_122#1, %gather3A_125 : vector<16xf32>
      %swap3A_131 = arith.index_cast %add3A_115 : i32 to index
      %swap3A_132 = arith.constant 16 : index
      %swap3A_133 = tpu.vector_load %arg11[%swap3A_131, %swap3A_132] {strides = array<i32>} : memref<128x32xf32, #tpu.memory_space<vmem>>, vector<16xf32>,
      tpu.vector_store %arg11[%swap3A_131, %swap3A_132], %div3A_130 {strides = array<i32>} : memref<128x32xf32, #tpu.memory_space<vmem>>, vector<16xf32>,
    }
    %scan3A_17 = arith.constant 32 : i32
    "tpu.region"() ({
      %run_scoped3A = tpu.sem_alloc : memref<!tpu.dma_semaphore, #tpu.memory_space<semaphore_mem>>
      %dma_start3A_18 = arith.constant 0 : i32
      %dma_start3A_19 = tpu.memref_slice %arg5[%mul3A_2, %dma_start3A_18] : memref<4096x32xf32, #tpu.memory_space<hbm>> -> memref<128x32xf32, #tpu.memory_space<hbm>>
      %dma_start3A_20 = arith.constant 0 : i32
      %dma_start3A_21 = tpu.memref_slice %arg5[%mul3A_2, %dma_start3A_20] : memref<4096x32xf32, #tpu.memory_space<hbm>> -> memref<128x32xf32, #tpu.memory_space<hbm>>
      tpu.enqueue_dma source(%arg11 : memref<128x32xf32, #tpu.memory_space<vmem>>) target(%dma_start3A_21 : memref<128x32xf32, #tpu.memory_space<hbm>>) target_semaphore(%run_scoped3A : memref<!tpu.dma_semaphore, #tpu.memory_space<semaphore_mem>>)
      %dma_wait3A = arith.constant 0 : i32
      %dma_wait3A_22 = tpu.memref_slice %arg5[%mul3A_2, %dma_wait3A] : memref<4096x32xf32, #tpu.memory_space<hbm>> -> memref<128x32xf32, #tpu.memory_space<hbm>>
      %dma_wait3A_23 = arith.constant 0 : i32
      %dma_wait3A_24 = tpu.memref_slice %arg5[%mul3A_2, %dma_wait3A_23] : memref<4096x32xf32, #tpu.memory_space<hbm>> -> memref<128x32xf32, #tpu.memory_space<hbm>>
      tpu.wait_dma2 semaphore(%run_scoped3A : memref<!tpu.dma_semaphore, #tpu.memory_space<semaphore_mem>>) src(%arg11 : memref<128x32xf32, #tpu.memory_space<vmem>>) dst(%dma_wait3A_24 : memref<128x32xf32, #tpu.memory_space<hbm>>)
      tpu.yield
    }) : () -> ()
    return
  }
}

</mosaic_0001>

<sc_bundles>
// kernel: _bow.3.cloned.1.call-start
scs
__scs_entry_jumppad:
0x0: {  	(pc) =	sbr.rel $0x88, $3  }
0x1: {  	(tag) =	ssettag $0x0;
	lr =	simm.s32 $0x1  }
0x2: {  	[smem:$0x3F9E] =	sst lr;
	_ =	strace $0xD0000000  }
0x3: {  	_ = 	snop  }
0x4: {  	_ = 	snop  }
0x5: {  	_ = 	snop  }
0x6: {  	_ = 	snop  }
0x7: {  	_ = 	snop  }
__scs_overlays_trampoline_lowered:
0x8: {  	[smem:$0x3FAD] =	sst s0  }
0x9: {  	[smem:$0x3FAE] =	sst s1  }
0xa: {  	[smem:$0x3FAF] =	sst s2  }
0xb: {  	[smem:$0x3FB0] =	sst s3  }
0xc: {  	[smem:$0x3FB1] =	sst s4  }
0xd: {  	[smem:$0x3FB2] =	sst s5  }
0xe: {  	[smem:$0x3FB3] =	sst s6  }
0xf: {  	[smem:$0x3FB4] =	sst s7  }
0x10: {  	[smem:$0x3FB5] =	sst s8  }
0x11: {  	[smem:$0x3FB6] =	sst s9;
	s0 =	simm.s32 @!p0 $0x0  }
0x12: {  	s1 =	sld [smem:$0x3F9C];
	s0 =	simm.s32 @p0 $0x1  }
0x13: {  	[smem:$0x3FB7] =	sst s0;
	s0 =	simm.s32 @!p1 $0x0  }
0x14: {  	s2 =	sld [smem:$0x3F9B];
	s0 =	simm.s32 @p1 $0x1  }
0x15: {  	[smem:$0x3FB8] =	sst s0;
	s0 =	simm.s32 @!p2 $0x0  }
0x16: {  	s3 =	sld [smem:$0x3FDB];
	s0 =	simm.s32 @p2 $0x1  }
0x17: {  	s4 =	simm.s32 $0x1BF5;
	[smem:$0x3FBA] =	sst s0  }
0x18: {  	s0 =	sld [smem:$0x3F9D];
	_ =	swait.ge [sflag:s4], $0x0  }
0x19: {  	s7 =	sld [smem:$0x3F9E]  }
0x1a: {  	s8 =	sadd.s32 $0xFFFFE003, lr  }
0x1b: {  	s9 =	sadd.s32 $0xFFFFFEF7, lr;
	s5 =	simm.s32 $0xFFFFFFFF;
	p2 =	slt.u32 s8, $0xFFFFF086  }
0x1c: {  	p1 =	slt.u32 s9, $0xF7A;
	s5 =	simm.s32 @!p2 $0x0  }
0x1d: {  	s5 =	simm.s32 @p1 $0x1;
	p0 =	seq.s32 s7, s2  }
0x1e: {  	s7 =	smul.u32 @!p0 $0xF7A, s2;
	p2 =	seq.s32 @!p0 s5, $0x0  }
0x1f: {  	s9 =	smul.u32 $0xF7A, s1;
	s8 =	simm.s32 @!p0 $0x1BF5;
	p2 =	por !p2, p0  }
0x20: {  	[sflag:s8] =	ssyncset.s32 @!p0 $0xFFFFF086;
	s6 =	sadd.s32 @!p0 s3, s7;
	s7 =	simm.s32 @!p0 $0x108  }
0x21: {  	s3 =	sadd.s32 s3, s9;
	s6 =	sadd.s32 @!p0 $0x88, s6;
	s7 =	simm.s32 @p2 $0x1082  }
0x22: {  	[simem:s7], [sflag:s8] =	dma.local @!p0 [hbm:s6], $0xF7A  }
0x23: {  	s9 =	sor.u32 $0xD0000000, s2;
	s6 =	simm.s32 $0x108;
	_ =	swait.ge @!p0 [sflag:s8], $0x0  }
0x24: {  	s3 =	sadd.s32 $0x88, s3;
	s6 =	simm.s32 @!p1 $0x1082;
	[sflag:s4] =	ssyncset.s32 $0xFFFFF086  }
0x25: {  	[simem:s6], [sflag:s4] =	dma.local [hbm:s3], $0xF7A  }
0x26: {  	[smem:$0x3F9E] =	sst s1;
	(tag) =	ssettag s2;
	_ =	strace s9  }
0x27: {  	s1 =	sld [smem:$0x3FAE]  }
0x28: {  	s2 =	sld [smem:$0x3FAF]  }
0x29: {  	s4 =	sld [smem:$0x3FB1]  }
0x2a: {  	p0 =	seq.s32 s5, $0x0;
	s5 =	sld [smem:$0x3FB2]  }
0x2b: {  	s6 =	sld [smem:$0x3FB3]  }
0x2c: {  	s7 =	sld [smem:$0x3FB4]  }
0x2d: {  	s3 =	simm.s32 $0x108;
	s8 =	sld [smem:$0x3FB5]  }
0x2e: {  	s3 =	simm.s32 @!p0 $0x1082;
	s9 =	sld [smem:$0x3FB6]  }
0x2f: {  	lr =	sadd.s32 s0, s3;
	s0 =	sld [smem:$0x3FAD]  }
0x30: {  	s3 =	sld [smem:$0x3FB0]  }
0x31: {  	[smem:$0x3FB9] =	sst s10  }
0x32: {  	s10 =	sld [smem:$0x3FB7];
	_ =	sdelay $0x3  }
0x33: {  	p0 =	seq.s32 s10, $0x1;
	s10 =	sld [smem:$0x3FB9];
	_ =	sdelay $0x3  }
0x34: {  	[smem:$0x3FB9] =	sst s10  }
0x35: {  	s10 =	sld [smem:$0x3FB8];
	_ =	sdelay $0x3  }
0x36: {  	p1 =	seq.s32 s10, $0x1;
	s10 =	sld [smem:$0x3FB9];
	_ =	sdelay $0x3  }
0x37: {  	[smem:$0x3FB9] =	sst s10  }
0x38: {  	s10 =	sld [smem:$0x3FBA]  }
0x39: {  	_ = 	snop;
	(pc) =	sbr.ind lr, $3  }
0x3a: {  	_ = 	snop  }
0x3b: {  	_ = 	snop  }
0x3c: {  	p2 =	seq.s32 s10, $0x1;
	s10 =	sld [smem:$0x3FB9]  }
0x3d: {  	_ =	shalt  }
0x3e: {  	_ =	shalt  }
0x3f: {  	_ =	shalt  }
0x40: {  	_ =	shalt  }
0x41: {  	_ =	shalt  }
0x42: {  	_ =	shalt  }
0x43: {  	_ =	shalt  }
0x44: {  	_ =	shalt  }
0x45: {  	_ =	shalt  }
0x46: {  	_ =	shalt  }
0x47: {  	_ =	shalt  }
0x48: {  	_ =	shalt  }
0x49: {  	_ =	shalt  }
0x4a: {  	_ =	shalt  }
0x4b: {  	_ =	shalt  }
0x4c: {  	_ =	shalt  }
0x4d: {  	_ =	shalt  }
0x4e: {  	_ =	shalt  }
0x4f: {  	_ =	shalt  }
0x50: {  	_ =	shalt  }
0x51: {  	_ =	shalt  }
0x52: {  	_ =	shalt  }
0x53: {  	_ =	shalt  }
0x54: {  	_ =	shalt  }
0x55: {  	_ =	shalt  }
0x56: {  	_ =	shalt  }
0x57: {  	_ =	shalt  }
0x58: {  	_ =	shalt  }
0x59: {  	_ =	shalt  }
0x5a: {  	_ =	shalt  }
0x5b: {  	_ =	shalt  }
0x5c: {  	_ =	shalt  }
0x5d: {  	_ =	shalt  }
0x5e: {  	_ =	shalt  }
0x5f: {  	_ =	shalt  }
0x60: {  	_ =	shalt  }
0x61: {  	_ =	shalt  }
0x62: {  	_ =	shalt  }
0x63: {  	_ =	shalt  }
0x64: {  	_ =	shalt  }
0x65: {  	_ =	shalt  }
0x66: {  	_ =	shalt  }
0x67: {  	_ =	shalt  }
0x68: {  	_ =	shalt  }
0x69: {  	_ =	shalt  }
0x6a: {  	_ =	shalt  }
0x6b: {  	_ =	shalt  }
0x6c: {  	_ =	shalt  }
0x6d: {  	_ =	shalt  }
0x6e: {  	_ =	shalt  }
0x6f: {  	_ =	shalt  }
0x70: {  	_ =	shalt  }
0x71: {  	_ =	shalt  }
0x72: {  	_ =	shalt  }
0x73: {  	_ =	shalt  }
0x74: {  	_ =	shalt  }
0x75: {  	_ =	shalt  }
0x76: {  	_ =	shalt  }
0x77: {  	_ =	shalt  }
0x78: {  	_ =	shalt  }
0x79: {  	_ =	shalt  }
0x7a: {  	_ =	shalt  }
0x7b: {  	_ =	shalt  }
0x7c: {  	_ =	shalt  }
0x7d: {  	_ =	shalt  }
0x7e: {  	_ =	shalt  }
0x7f: {  	_ =	shalt  }
0x80: {  	_ =	shalt  }
0x81: {  	_ =	shalt  }
0x82: {  	_ =	shalt  }
0x83: {  	_ =	shalt  }
0x84: {  	_ =	shalt  }
0x85: {  	_ =	shalt  }
0x86: {  	_ =	shalt  }
0x87: {  	_ =	shalt  }
.Lfunc_end0:
.L_simem_size_0:
called_computation_lowered:
.L_overlay_start_0:
0x88: {  	s2 =	sld [smem:$0x3FD9]  }
0x89: {  	s3 =	sld [smem:$0x3FFE];
	_ =	sdelay $0x1  }
0x8a: {  	s1 =	srdreg.scid  }
0x8b: {  	s0 =	sand.u32 $0x1, s1  }
0x8c: {  	s17 =	sshll.u32 s0, $0xA;
	s2 =	sadd.s32 s3, s2  }
0x8d: {  	s2 =	sadd.s32 s2, s17  }
0x8e: {  	[smem:$0x3FC5] =	sst s2  }
0x8f: {  	_ = 	snop  }
0x90: {  	s2 =	sld [smem:$0x3FC9]  }
0x91: {  	s18 =	sld [smem:$0x3FC8]  }
0x92: {  	s4 =	sld [smem:$0x3FD0];
	(tm) =	ssettm $0x1  }
0x93: {  	s5 =	sld [smem:$0x3FFB];
	_ =	sdelay $0x3  }
0x94: {  	_ =	strace s5  }
0x95: {  	s5 =	sld [smem:$0x3FFC];
	_ =	sdelay $0x3  }
0x96: {  	_ =	strace s5  }
0x97: {  	s5 =	sld [smem:$0x3FFD];
	_ =	sdelay $0x3  }
0x98: {  	_ =	strace s5  }
0x99: {  	_ =	strace $0x8FFFFFFF  }
0x9a: {  	s19 =	sld [smem:$0x3FDB];
	_ =	sdelay $0x1  }
0x9b: {  	s6 =	simm.s32 $_scs_section_size  }
0x9c: {  	s7 =	simm.s32 $_size__tile_overlayer_lowered;
	s8 =	simm.s32 $_tile_overlayer_lowered  }
0x9d: {  	s22 =	simm.s32 $0x1BFF;
	s21 =	sshll.u32 s8, $0x1;
	s5 =	sadd.s32 s6, s19  }
0x9e: {  	s9 =	simm.s32 $0x0;
	s20 =	sshll.u32 s7, $0x1;
	s7 =	sadd.s32 s21, s5  }
0x9f: {  	[timem:s9], [sflag:s22] =	dma.local [hbm:s7], s20  }
0xa0: {  	_ =	swait.ge [sflag:s22], s20  }
0xa1: {  	s6 =	ssub.s32 $0x0, s20;
	[sflag:s22] =	ssyncset.done $0x0  }
0xa2: {  	[sflag:s22] =	ssyncadd.s32 s6;
	_ =	sdelay $0x1  }
0xa3: {  	s23 =	simm.s32 $0x1B8B  }
0xa4: {  	_ =	swait.ge [sflag:s23], $0x1  }
0xa5: {  	[sflag:s23] =	ssyncset.done $0x0  }
0xa6: {  	s25 =	simm.s32 $0x1B8E;
	s24 =	sld [smem:$0x3FFE];
	[sflag:s23] =	ssyncadd.s32 $0xFFFFFFFF  }
0xa7: {  	s26 =	simm.s32 $execute0_lowered;
	[smem:$0x3FD2] =	sst s25  }
0xa8: {  	s7 =	sshll.u32 s26, $0x1;
	_ =	strace $0x80000046;
	[dreg:$0x1] =	wrdreg $0xFFFFFFFF  }
0xa9: {  	s28 =	simm.s32 $_size_execute0_lowered;
	s5 =	sadd.s32 s5, s7;
	[dreg:$0x0] =	wrdreg $0x0  }
0xaa: {  	s7 =	sshll.u32 s28, $0x1;
	[dreg:$0x2] =	wrdreg s5  }
0xab: {  	[dreg:$0x3] =	wrdreg s7  }
0xac: {  	[dreg:$0x4] =	wrdreg $0xC0  }
0xad: {  	_ =	task [dreg:s9], $0x5FFFF  }
0xae: {  	[dreg:$0x1] =	wrdreg $0xFFFFFFFF  }
0xaf: {  	[dreg:$0x0] =	wrdreg $0x60  }
0xb0: {  	[dreg:$0x2] =	wrdreg s2  }
0xb1: {  	[dreg:$0x3] =	wrdreg s18  }
0xb2: {  	[dreg:$0x4] =	wrdreg s24  }
0xb3: {  	[dreg:$0x5] =	wrdreg s4  }
0xb4: {  	[dreg:$0x6] =	wrdreg $0x9  }
0xb5: {  	_ =	task.clear_ibuf [dreg:s9], $0x7FFFF;
	_ =	strace $0x90000046  }
0xb6: {  	s29 =	simm.s32 $0x9;
	_ =	strace $0x80000048  }
0xb7: {  	_ =	swait.ge [sflag:s29], $0x1  }
0xb8: {  	[sflag:s29] =	ssyncadd.s32 $0xFFFFFFFF  }
0xb9: {  	_ =	strace $0x90000048  }
0xba: {  	_ =	sfence  }
0xbb: {  	s30 =	sld [smem:$0x0];
	_ =	sdelay $0x2  }
0xbc: {  	s31 =	sshll.u32 s1, $0xD;
	s1 =	sshrl.u32 s1, $0x2  }
0xbd: {  	s3 =	sand.u32 $0x4000, s31;
	s1 =	sadd.s32 s1, s30  }
0xbe: {  	s0 =	sor.u32 s3, s0;
	s1 =	sshll.u32 s1, $0x11  }
0xbf: {  	s0 =	sor.u32 s1, s0  }
0xc0: {  	s0 =	sadd.s32 $0x8F2B, s0  }
0xc1: {  	[sflag:s0] =	ssyncadd.remote.s32 $0x1  }
0xc2: {  	_ =	sfence.sel $0xFFFF  }
0xc3: {  	[dreg:$0x0] =	wrdreg $0xFFFFFFFF;
	(pc) =	sbr.abs _section_cstart, $3  }
0xc4: {  	[dreg:$0x1] =	wrdreg $0xFFFFFFFF  }
0xc5: {  	_ =	task.clear_ibuf [dreg:s9], $0x2FFFF;
	_ =	strace $0x9FFFFFFF  }
0xc6: {  	(tm) =	ssettm $0x7FFFFFFF  }
0xc7: {  	_ =	shalt  }
tec
execute0_lowered:
.L_overlay_start_1:
0x0: {  	(tag) =	ssettag $0x1  }
0x1: {  	s4 =	rddreg [dreg:$0x0]  }
0x2: {  	s5 =	rddreg [dreg:$0x1]  }
0x3: {  	s3 =	rddreg [dreg:$0x2]  }
0x4: {  	s6 =	rddreg [dreg:$0x3]  }
0x5: {  	s0 =	rddreg [dreg:$0x4]  }
0x6: {  	s7 =	srdreg.scid;
	s1 =	stileid.u32  }
0x7: {  	s2 =	simm.s32 $0x0;
	s11 =	simm.s32 $0x1C00;
	s12 =	simm.s32 $0x2A00  }
0x8: {  	s13 =	simm.s32 $0x1;
	s14 =	simm.s32 $0x3880;
	s15 =	simm.s32 $0x2  }
0x9: {  	s16 =	simm.s32 $0x3900;
	s17 =	simm.s32 $0x0;
	s7 =	sand.u32 $0x1, s7  }
0xa: {  	s8 =	sshll.u32 s1, $0x1;
	[smem:$0x7FF] =	sst s2;
	s3 =	sadd.s32 $0xF42800, s3  }
0xb: {  	s9 =	ssub.s32 $0x2, s7;
	s7 =	sor.u32 s7, s8;
	_ =	strace $0x80000047  }
0xc: {  	s30 =	sshrl.u32 s9, $0x1;
	s10 =	smul.u32 $0x380, s7;
	s31 =	sshll.u32 s7, $0x4  }
0xd: {  	s7 =	sshll.u32 s7, $0x9;
	s8 =	ssub.s32 s9, s30;
	s5 =	sadd.s32 s5, s31  }
0xe: {  	s6 =	sadd.s32 s6, s7;
	s9 =	simm.s32 $0x3800;
	s4 =	sadd.s32 s4, s10  }
0xf: {  	s7 =	smax.u32 s8, $0x1;
	s8 =	simm.s32 $0x3;
	s10 =	simm.s32 $0x70  }
.LBB2_1:
0x10: {  	[tilespmem:s2], [sflag:$0x3] =	stream.linear.gather [hbm4b:s4+s2], $0x1C00, $0x38;
	[tilespmem:$0x4900] =	vst v63  }
0x11: {  	_ =	swait.ge [sflag:s8], $0x1C00  }
0x12: {  	[sflag:s8] =	ssyncset.done $0x0  }
0x13: {  	[sflag:s8] =	ssyncadd.s32 $0xFFFFE400  }
0x14: {  	[tilespmem:s9], [sflag:$0x3] =	stream.linear.gather [hbm4b:s5+s2], $0x80, $0x38;
	[tilespmem:$0x4900] =	vst v63  }
0x15: {  	_ =	swait.ge [sflag:s8], $0x80  }
0x16: {  	[sflag:s8] =	ssyncset.done $0x0  }
0x17: {  	[sflag:s8] =	ssyncadd.s32 $0xFFFFFF80  }
0x18: {  	v0 =	vld [tilespmem:$0x3800]  }
0x19: {  	v1 =	vld [tilespmem:$0x3810]  }
0x1a: {  	v2 =	vld [tilespmem:$0x3820]  }
0x1b: {  	v3 =	vld [tilespmem:$0x3830]  }
0x1c: {  	v4 =	vld [tilespmem:$0x3840]  }
0x1d: {  	v5 =	vld [tilespmem:$0x3850];
	v0 =	vcvt.s32.f32 v0  }
0x1e: {  	v6 =	vld [tilespmem:$0x3860];
	v1 =	vcvt.s32.f32 v1  }
0x1f: {  	v7 =	vld [tilespmem:$0x3870];
	v2 =	vcvt.s32.f32 v2;
	v0 =	vadd.f32 $9.999999960e-13, v0  }
0x20: {  	v3 =	vcvt.s32.f32 v3;
	v1 =	vadd.f32 $9.999999960e-13, v1  }
0x21: {  	v55 =	vcvt.s32.f32 v4;
	v54 =	vadd.f32 $9.999999960e-13, v2;
	[tilespmem:$0x3880] =	vst v0  }
0x22: {  	v57 =	vcvt.s32.f32 v5;
	v56 =	vadd.f32 $9.999999960e-13, v3;
	[tilespmem:$0x3890] =	vst v1  }
0x23: {  	v59 =	vcvt.s32.f32 v6;
	v58 =	vadd.f32 $9.999999960e-13, v55;
	[tilespmem:$0x38A0] =	vst v54  }
0x24: {  	v61 =	vcvt.s32.f32 v7;
	v60 =	vadd.f32 $9.999999960e-13, v57;
	[tilespmem:$0x38B0] =	vst v56  }
0x25: {  	v62 =	vadd.f32 $9.999999960e-13, v59;
	[tilespmem:$0x38C0] =	vst v58  }
0x26: {  	v63 =	vadd.f32 $9.999999960e-13, v61;
	[tilespmem:$0x38D0] =	vst v60  }
0x27: {  	[tilespmem:$0x38E0] =	vst v62  }
0x28: {  	s18 =	simm.s32 $0x0;
	[tilespmem:$0x38F0] =	vst v63  }
0x29: {  	[tilespmem:s11], [sflag:$0x1] =	stream.indirect.gather [hbm4b:s3+s10], $0x20, s2, s10, $0xb8;
	[tilespmem:$0x4900] =	vst v63  }
.LBB2_2:
0x2a: {  	s19 =	sshllo.u32 s18, $0x1  }
0x2b: {  	s20 =	smul.u32 $0x1C0, s19;
	_ =	sdelay $0x1  }
0x2c: {  	s20 =	sshra.s32 s20, $0x2  }
0x2d: {  	[tilespmem:s12], [sflag:$0x2] =	stream.indirect.gather [hbm4b:s3+s10], $0x20, s20, s10, $0xb8;
	[tilespmem:$0x4900] =	vst v63  }
0x2e: {  	_ =	swait.ge [sflag:s13], $0xE00  }
0x2f: {  	[sflag:s13] =	ssyncset.done $0x0  }
0x30: {  	s21 =	simm.s32 $0x1C50;
	[sflag:s13] =	ssyncadd.s32 $0xFFFFF200  }
0x31: {  	v3 =	vld [tilespmem:s21+$0xFFFFFFB0]  }
0x32: {  	v4 =	vld [tilespmem:s21+$0xFFFFFFC0]  }
0x33: {  	v5 =	vld [tilespmem:s21+$0xFFFFFFD0]  }
0x34: {  	v7 =	vld [tilespmem:s21+$0xFFFFFFE0]  }
0x35: {  	v0 =	vld [tilespmem:s21+$0xFFFFFFF0]  }
0x36: {  	v6 =	vimm.f32 $0.0e+00;
	v2 =	vld [tilespmem:s21+$0x0]  }
0x37: {  	v1 =	vld [tilespmem:s21+$0x10];
	v8 =	vadd.f32 v3, v6;
	v9 =	vadd.f32 v4, v6  }
0x38: {  	v4 =	vld [tilespmem:s21+$0x20]  }
0x39: {  	v3 =	vld [tilespmem:s21+$0x30];
	v6 =	vadd.f32 v5, v8;
	v7 =	vadd.f32 v7, v9  }
0x3a: {  	s20 =	simm.s32 $0x0;
	v5 =	vld [tilespmem:s21+$0x40];
	s21 =	simm.s32 $0x1CF0  }
.LBB2_3:
0x3b: {  	v8 =	vld [tilespmem:s21+$0xFFFFFFB0];
	v0 =	vadd.f32 v0, v6;
	v2 =	vadd.f32 v2, v7  }
0x3c: {  	s20 =	sadd.s32 $0x5, s20;
	v6 =	vld [tilespmem:s21+$0xFFFFFFC0]  }
0x3d: {  	p0 =	slt.u32 s20, $0x2D;
	v7 =	vld [tilespmem:s21+$0xFFFFFFD0];
	v1 =	vadd.f32 v1, v0;
	v2 =	vadd.f32 v4, v2  }
0x3e: {  	v9 =	vld [tilespmem:s21+$0xFFFFFFE0]  }
0x3f: {  	v0 =	vld [tilespmem:s21+$0xFFFFFFF0];
	v1 =	vadd.f32 v3, v1;
	v3 =	vadd.f32 v5, v2  }
.Ltmp0:
0x40: {  	v2 =	vld [tilespmem:s21+$0x0];
	(pc) =	sbr.rel @p0 .LBB2_3-.Ltmp0, $4  }
0x41: {  	v5 =	vadd.f32 v8, v1;
	v3 =	vadd.f32 v6, v3;
	v1 =	vld [tilespmem:s21+$0x10]  }
0x42: {  	v4 =	vld [tilespmem:s21+$0x20]  }
0x43: {  	v6 =	vadd.f32 v7, v5;
	v7 =	vadd.f32 v9, v3;
	v3 =	vld [tilespmem:s21+$0x30]  }
0x44: {  	v5 =	vld [tilespmem:s21+$0x40];
	s21 =	sadd.s32 $0xA0, s21  }
0x45: {  	s20 =	sshll.u32 s18, $0x2  }
0x46: {  	v8 =	vmov s20  }
0x47: {  	v8 =	vbroadcast v8, $0x0;
	_ =	sdelay $0x5  }
0x48: {  	v8 =	vld.idx.msk [tilespmem:v8+s14+$0x0], $0xffff;
	_ =	sdelay $0x4  }
0x49: {  	(erf) = vrcp.f32 v8;
	_ =	sdelay $0x3  }
0x4a: {  	v0 =	vadd.f32 v0, v6  }
0x4b: {  	v2 =	vadd.f32 v2, v7  }
0x4c: {  	v0 =	vadd.f32 v1, v0  }
0x4d: {  	v1 =	vadd.f32 v4, v2  }
0x4e: {  	v0 =	vadd.f32 v3, v0  }
0x4f: {  	v1 =	vadd.f32 v5, v1;
	v2 =	vpop (erf)  }
0x50: {  	s21 =	sshll.u32 s18, $0x7;
	v0 =	vmul.f32 v2, v0  }
0x51: {  	s21 =	sand.u32 $0x3FFFFF80, s21;
	v1 =	vmul.f32 v2, v1  }
0x52: {  	[tilespmem:s21+$0x3900] =	vst v0  }
0x53: {  	s22 =	simm.s32 $0x2390;
	[tilespmem:s21+$0x3910] =	vst v1  }
0x54: {  	v3 =	vld [tilespmem:s22+$0xFFFFFF70]  }
0x55: {  	v4 =	vld [tilespmem:s22+$0xFFFFFF80]  }
0x56: {  	v5 =	vld [tilespmem:s22+$0xFFFFFF90]  }
0x57: {  	v7 =	vld [tilespmem:s22+$0xFFFFFFA0]  }
0x58: {  	v0 =	vld [tilespmem:s22+$0xFFFFFFB0]  }
0x59: {  	v6 =	vimm.f32 $0.0e+00;
	v2 =	vld [tilespmem:s22+$0xFFFFFFC0]  }
0x5a: {  	v1 =	vld [tilespmem:s22+$0xFFFFFFD0];
	v8 =	vadd.f32 v3, v6;
	v9 =	vadd.f32 v4, v6  }
0x5b: {  	v4 =	vld [tilespmem:s22+$0xFFFFFFE0]  }
0x5c: {  	v3 =	vld [tilespmem:s22+$0xFFFFFFF0];
	v6 =	vadd.f32 v5, v8;
	v7 =	vadd.f32 v7, v9  }
0x5d: {  	s21 =	simm.s32 $0x0;
	v5 =	vld [tilespmem:s22+$0x0];
	s22 =	simm.s32 $0x2430  }
.LBB2_5:
0x5e: {  	v8 =	vld [tilespmem:s22+$0xFFFFFF70];
	v0 =	vadd.f32 v0, v6;
	v2 =	vadd.f32 v2, v7  }
0x5f: {  	s21 =	sadd.s32 $0x5, s21;
	v6 =	vld [tilespmem:s22+$0xFFFFFF80]  }
0x60: {  	p0 =	slt.u32 s21, $0x2D;
	v7 =	vld [tilespmem:s22+$0xFFFFFF90];
	v1 =	vadd.f32 v1, v0;
	v2 =	vadd.f32 v4, v2  }
0x61: {  	v9 =	vld [tilespmem:s22+$0xFFFFFFA0]  }
0x62: {  	v0 =	vld [tilespmem:s22+$0xFFFFFFB0];
	v1 =	vadd.f32 v3, v1;
	v3 =	vadd.f32 v5, v2  }
.Ltmp1:
0x63: {  	v2 =	vld [tilespmem:s22+$0xFFFFFFC0];
	(pc) =	sbr.rel @p0 .LBB2_5-.Ltmp1, $4  }
0x64: {  	v5 =	vadd.f32 v8, v1;
	v3 =	vadd.f32 v6, v3;
	v1 =	vld [tilespmem:s22+$0xFFFFFFD0]  }
0x65: {  	v4 =	vld [tilespmem:s22+$0xFFFFFFE0]  }
0x66: {  	v6 =	vadd.f32 v7, v5;
	v7 =	vadd.f32 v9, v3;
	v3 =	vld [tilespmem:s22+$0xFFFFFFF0]  }
0x67: {  	v5 =	vld [tilespmem:s22+$0x0];
	s22 =	sadd.s32 $0xA0, s22  }
0x68: {  	s20 =	sor.u32 $0x1, s20  }
0x69: {  	v8 =	vmov s20  }
0x6a: {  	v8 =	vand.u32 $0xFFFFFFFD, v8  }
0x6b: {  	v8 =	vbroadcast v8, $0x0;
	_ =	sdelay $0x5  }
0x6c: {  	v8 =	vld.idx.msk [tilespmem:v8+s14+$0x0], $0xffff;
	_ =	sdelay $0x4  }
0x6d: {  	(erf) = vrcp.f32 v8;
	_ =	sdelay $0x3  }
0x6e: {  	v0 =	vadd.f32 v0, v6  }
0x6f: {  	v2 =	vadd.f32 v2, v7  }
0x70: {  	v0 =	vadd.f32 v1, v0  }
0x71: {  	v1 =	vadd.f32 v4, v2  }
0x72: {  	v0 =	vadd.f32 v3, v0  }
0x73: {  	p0 =	seq.s32 s18, $0x1F;
	v1 =	vadd.f32 v5, v1;
	v2 =	vpop (erf)  }
0x74: {  	s20 =	sshll.u32 s20, $0x5;
	s21 =	smul.u32 @!p0 $0x380, s18;
	v0 =	vmul.f32 v2, v0  }
0x75: {  	s20 =	sand.u32 $0x3FFFFFE0, s20;
	v1 =	vmul.f32 v2, v1  }
0x76: {  	s21 =	sshra.s32 @!p0 s21, $0x2;
	[tilespmem:s20+$0x3900] =	vst v0  }
0x77: {  	s22 =	simm.s32 @!p0 $0x1C00;
	[tilespmem:s20+$0x3910] =	vst v1;
	s20 =	sadd.s32 @!p0 $0xE0, s21;
	s21 =	simm.s32 @!p0 $0x70  }
0x78: {  	[tilespmem:s22], [sflag:$0x1] =	stream.indirect.gather @!p0 [hbm4b:s3+s21], $0x20, s20, s21, $0xb8;
	[tilespmem:$0x4900] =	vst v63  }
0x79: {  	_ =	swait.ge [sflag:s15], $0xE00  }
0x7a: {  	[sflag:s15] =	ssyncset.done $0x0  }
0x7b: {  	s31 =	simm.s32 $0x2A50;
	[sflag:s15] =	ssyncadd.s32 $0xFFFFF200  }
0x7c: {  	v3 =	vld [tilespmem:s31+$0xFFFFFFB0]  }
0x7d: {  	v4 =	vld [tilespmem:s31+$0xFFFFFFC0]  }
0x7e: {  	v5 =	vld [tilespmem:s31+$0xFFFFFFD0]  }
0x7f: {  	v7 =	vld [tilespmem:s31+$0xFFFFFFE0]  }
0x80: {  	v0 =	vld [tilespmem:s31+$0xFFFFFFF0]  }
0x81: {  	v6 =	vimm.f32 $0.0e+00;
	v2 =	vld [tilespmem:s31+$0x0]  }
0x82: {  	v1 =	vld [tilespmem:s31+$0x10];
	v8 =	vadd.f32 v3, v6;
	v9 =	vadd.f32 v4, v6  }
0x83: {  	v4 =	vld [tilespmem:s31+$0x20]  }
0x84: {  	v3 =	vld [tilespmem:s31+$0x30];
	v6 =	vadd.f32 v5, v8;
	v7 =	vadd.f32 v7, v9  }
0x85: {  	s20 =	simm.s32 $0x0;
	s21 =	simm.s32 $0x2AF0;
	v5 =	vld [tilespmem:s31+$0x40]  }
.LBB2_7:
0x86: {  	v8 =	vld [tilespmem:s21+$0xFFFFFFB0];
	v0 =	vadd.f32 v0, v6;
	v2 =	vadd.f32 v2, v7  }
0x87: {  	s20 =	sadd.s32 $0x5, s20;
	v6 =	vld [tilespmem:s21+$0xFFFFFFC0]  }
0x88: {  	p0 =	slt.u32 s20, $0x2D;
	v7 =	vld [tilespmem:s21+$0xFFFFFFD0];
	v1 =	vadd.f32 v1, v0;
	v2 =	vadd.f32 v4, v2  }
0x89: {  	v9 =	vld [tilespmem:s21+$0xFFFFFFE0]  }
0x8a: {  	v0 =	vld [tilespmem:s21+$0xFFFFFFF0];
	v1 =	vadd.f32 v3, v1;
	v3 =	vadd.f32 v5, v2  }
.Ltmp2:
0x8b: {  	v2 =	vld [tilespmem:s21+$0x0];
	(pc) =	sbr.rel @p0 .LBB2_7-.Ltmp2, $4  }
0x8c: {  	v5 =	vadd.f32 v8, v1;
	v3 =	vadd.f32 v6, v3;
	v1 =	vld [tilespmem:s21+$0x10]  }
0x8d: {  	v4 =	vld [tilespmem:s21+$0x20]  }
0x8e: {  	v6 =	vadd.f32 v7, v5;
	v7 =	vadd.f32 v9, v3;
	v3 =	vld [tilespmem:s21+$0x30]  }
0x8f: {  	v5 =	vld [tilespmem:s21+$0x40];
	s21 =	sadd.s32 $0xA0, s21  }
0x90: {  	s20 =	sshll.u32 s19, $0x1  }
0x91: {  	v8 =	vmov s20  }
0x92: {  	v8 =	vbroadcast v8, $0x0;
	_ =	sdelay $0x5  }
0x93: {  	v8 =	vld.idx.msk [tilespmem:v8+s14+$0x0], $0xffff;
	_ =	sdelay $0x4  }
0x94: {  	(erf) = vrcp.f32 v8;
	_ =	sdelay $0x3  }
0x95: {  	v0 =	vadd.f32 v0, v6  }
0x96: {  	v2 =	vadd.f32 v2, v7  }
0x97: {  	v0 =	vadd.f32 v1, v0  }
0x98: {  	v1 =	vadd.f32 v4, v2  }
0x99: {  	v0 =	vadd.f32 v3, v0  }
0x9a: {  	v1 =	vadd.f32 v5, v1;
	v2 =	vpop (erf)  }
0x9b: {  	s31 =	sshll.u32 s19, $0x6;
	v0 =	vmul.f32 v2, v0  }
0x9c: {  	s19 =	sand.u32 $0x3FFFFFC0, s31;
	v1 =	vmul.f32 v2, v1  }
0x9d: {  	[tilespmem:s19+$0x3900] =	vst v0  }
0x9e: {  	s21 =	simm.s32 $0x3190;
	[tilespmem:s19+$0x3910] =	vst v1  }
0x9f: {  	v3 =	vld [tilespmem:s21+$0xFFFFFF70]  }
0xa0: {  	v4 =	vld [tilespmem:s21+$0xFFFFFF80]  }
0xa1: {  	v5 =	vld [tilespmem:s21+$0xFFFFFF90]  }
0xa2: {  	v7 =	vld [tilespmem:s21+$0xFFFFFFA0]  }
0xa3: {  	v0 =	vld [tilespmem:s21+$0xFFFFFFB0]  }
0xa4: {  	v6 =	vimm.f32 $0.0e+00;
	v2 =	vld [tilespmem:s21+$0xFFFFFFC0]  }
0xa5: {  	v1 =	vld [tilespmem:s21+$0xFFFFFFD0];
	v8 =	vadd.f32 v3, v6;
	v9 =	vadd.f32 v4, v6  }
0xa6: {  	v4 =	vld [tilespmem:s21+$0xFFFFFFE0]  }
0xa7: {  	v3 =	vld [tilespmem:s21+$0xFFFFFFF0];
	v6 =	vadd.f32 v5, v8;
	v7 =	vadd.f32 v7, v9  }
0xa8: {  	s19 =	simm.s32 $0x0;
	v5 =	vld [tilespmem:s21+$0x0];
	s21 =	simm.s32 $0x3230  }
.LBB2_9:
0xa9: {  	v8 =	vld [tilespmem:s21+$0xFFFFFF70];
	v0 =	vadd.f32 v0, v6;
	v2 =	vadd.f32 v2, v7  }
0xaa: {  	s19 =	sadd.s32 $0x5, s19;
	v6 =	vld [tilespmem:s21+$0xFFFFFF80]  }
0xab: {  	p0 =	slt.u32 s19, $0x2D;
	v7 =	vld [tilespmem:s21+$0xFFFFFF90];
	v1 =	vadd.f32 v1, v0;
	v2 =	vadd.f32 v4, v2  }
0xac: {  	v9 =	vld [tilespmem:s21+$0xFFFFFFA0]  }
0xad: {  	v0 =	vld [tilespmem:s21+$0xFFFFFFB0];
	v1 =	vadd.f32 v3, v1;
	v3 =	vadd.f32 v5, v2  }
.Ltmp3:
0xae: {  	v2 =	vld [tilespmem:s21+$0xFFFFFFC0];
	(pc) =	sbr.rel @p0 .LBB2_9-.Ltmp3, $4  }
0xaf: {  	v5 =	vadd.f32 v8, v1;
	v3 =	vadd.f32 v6, v3;
	v1 =	vld [tilespmem:s21+$0xFFFFFFD0]  }
0xb0: {  	v4 =	vld [tilespmem:s21+$0xFFFFFFE0]  }
0xb1: {  	v6 =	vadd.f32 v7, v5;
	v7 =	vadd.f32 v9, v3;
	v3 =	vld [tilespmem:s21+$0xFFFFFFF0]  }
0xb2: {  	v5 =	vld [tilespmem:s21+$0x0];
	s21 =	sadd.s32 $0xA0, s21  }
0xb3: {  	s19 =	sor.u32 $0x1, s20  }
0xb4: {  	v8 =	vmov s19;
	_ =	sdelay $0x4  }
0xb5: {  	v8 =	vld.idx.msk [tilespmem:v8+s14+$0x0], $0xffff;
	_ =	sdelay $0x4  }
0xb6: {  	(erf) = vrcp.f32 v8;
	_ =	sdelay $0x3  }
0xb7: {  	v0 =	vadd.f32 v0, v6  }
0xb8: {  	v2 =	vadd.f32 v2, v7  }
0xb9: {  	v0 =	vadd.f32 v1, v0  }
0xba: {  	s18 =	sadd.s32 $0x1, s18;
	v62 =	vadd.f32 v4, v2  }
0xbb: {  	p0 =	sne.s32 s18, $0x20;
	v0 =	vadd.f32 v3, v0  }
.Ltmp4:
0xbc: {  	v1 =	vadd.f32 v5, v62;
	v63 =	vpop (erf);
	(pc) =	sbr.rel @p0 .LBB2_2-.Ltmp4, $4  }
0xbd: {  	s19 =	sshll.u32 s19, $0x5;
	v0 =	vmul.f32 v63, v0  }
0xbe: {  	s19 =	sand.u32 $0x3FFFFFE0, s19;
	v1 =	vmul.f32 v63, v1  }
0xbf: {  	[tilespmem:s19+$0x3900] =	vst v0  }
0xc0: {  	[tilespmem:s19+$0x3910] =	vst v1  }
0xc1: {  	s17 =	sadd.s32 $0x1, s17  }
0xc2: {  	p0 =	sne.s32 s17, s7  }
.Ltmp5:
0xc3: {  	_ = 	snop;
	(pc) =	sbr.rel @p0 .LBB2_1-.Ltmp5, $4  }
0xc4: {  	[hbm4b:s6+s2] =	stream.linear.scatter [tilespmem:s16], [sflag:$0x3], $0x1000, $0x38;
	[tilespmem:$0x4900] =	vst v63  }
0xc5: {  	_ =	swait.ge [sflag:s8], $0x1000  }
0xc6: {  	[sflag:s8] =	ssyncset.done $0x0  }
0xc7: {  	[sflag:s8] =	ssyncadd.s32 $0xFFFFF000  }
0xc8: {  	_ =	sfence.sel $0x180000  }
0xc9: {  	[bflag:$0x0] =	sbarrier.arrive $0xFFFF  }
0xca: {  	p0 =	sne.s32 s1, $0x0;
	_ =	strace $0x90000047  }
0xcb: {  	s0 =	sadd.s32 @!p0 $0x100000, s0;
	[bflag:$0x2] =	sbarrier.arrive $0xFFFF  }
0xcc: {  	[sflag:s0] =	ssyncadd.tile.s32 @!p0 $0x1;
	_ =	shalt  }
.Lfunc_end2:
_tile_overlayer_lowered:
.L_overlay_start_2:
0xcd: {  	(tag) =	ssettag $0x2  }
0xce: {  	s0 =	rddreg [dreg:$0x0];
	s2 =	stileid.u32  }
0xcf: {  	s1 =	rddreg [dreg:$0x1];
	p0 =	sne.s32 s2, $0x0  }
0xd0: {  	s3 =	rddreg [dreg:$0x2];
	[bflag:$0x3] =	sbarrier.arrive $0xFFFF;
	s2 =	simm.s32 @!p0 $0x1C03  }
0xd1: {  	[timem:s3], [sflag:s2] =	dma.local @!p0 [hbm:s0], s1  }
0xd2: {  	s0 =	simm.s32 @!p0 $0x3  }
0xd3: {  	_ =	swait.ge @!p0 [sflag:s0], s1  }
0xd4: {  	s1 =	ssub.s32 @!p0 $0x0, s1;
	[sflag:s0] =	ssyncset.done @!p0 $0x0  }
0xd5: {  	[sflag:s0] =	ssyncadd.s32 @!p0 s1  }
0xd6: {  	[bflag:$0x3] =	sbarrier.arrive $0xFFFF  }
0xd7: {  	_ =	shalt  }

</sc_bundles>
